<compile_context>
chip_gen: v7x
topology: tpu7x:2x2x1
jax: 0.10.2.dev20260603
libtpu: 0.0.44.dev20260713+nightly
codegen_flags: <defaults>
</compile_context>

<pallas_src>
import functools

import jax
import jax.numpy as jnp
import numpy as np
from jax import lax
from jax.experimental import pallas as pl
from jax.experimental.pallas import tpu as pltpu
from jax.experimental.pallas import tpu_sc as plsc

_B = 16
_G = 100
_NUM_CLASSES = 80
_EMBED = 256
_N = 2 * _B * _G
_PAD = 200
_TGT = _PAD + 900
_BPW = 128
_WACT = _N // _BPW


def _tf2x32(k1, k2, x0, x1):
    x0 = x0.astype(np.uint32).copy()
    x1 = x1.astype(np.uint32).copy()
    ks = [np.uint32(k1), np.uint32(k2),
          np.uint32(k1) ^ np.uint32(k2) ^ np.uint32(0x1BD11BDA)]
    rots = [[13, 15, 26, 6], [17, 29, 16, 24]]
    x0 = x0 + ks[0]
    x1 = x1 + ks[1]
    for i in range(5):
        for r in rots[i % 2]:
            x0 = x0 + x1
            x1 = (x1 << np.uint32(r)) | (x1 >> np.uint32(32 - r))
            x1 = x1 ^ x0
        x0 = x0 + ks[(i + 1) % 3]
        x1 = x1 + ks[(i + 2) % 3] + np.uint32(i + 1)
    return x0, x1


def _np_random_bits(key, shape):
    n = int(np.prod(shape))
    b1, b2 = _tf2x32(key[0], key[1], np.zeros(n, np.uint32),
                     np.arange(n, dtype=np.uint32))
    return (b1 ^ b2).reshape(shape)


def _np_split(key, num):
    b1, b2 = _tf2x32(key[0], key[1], np.zeros(num, np.uint32),
                     np.arange(num, dtype=np.uint32))
    return [(b1[i], b2[i]) for i in range(num)]


def _np_uniform(key, shape):
    bits = _np_random_bits(key, shape)
    return ((bits >> np.uint32(9)) | np.uint32(0x3F800000)).view(
        np.float32) - np.float32(1.0)


def _np_randint(key, shape, maxval):
    k1, k2 = _np_split(key, 2)
    hi = _np_random_bits(k1, shape)
    lo = _np_random_bits(k2, shape)
    span = np.uint32(maxval)
    mult = np.uint32((int(2 ** 16 % int(span)) ** 2) % int(span))
    return (((hi % span) * mult + (lo % span)) % span).astype(np.int32)


def _build_consts():
    nk1, nk2, nk3, nk4 = _np_split((np.uint32(0), np.uint32(1234)), 4)
    p = _np_uniform(nk1, (_N,))
    new_label = _np_randint(nk2, (_N,), _NUM_CLASSES)
    rand_sign_i = _np_randint(nk3, (_N, 4), 2)
    rand_part = _np_uniform(nk4, (_N, 4))
    chosen = p < 0.25
    neg_mask = ((np.arange(_N) // (_B * _G)) % 2 == 1).astype(np.float32)
    rand_sign = rand_sign_i.astype(np.float32) * 2.0 - 1.0
    noise = ((rand_part + neg_mask[:, None]) * rand_sign).astype(np.float32)

    r = np.arange(_N)
    b, q = r // _PAD, r % _PAD
    i_src = np.where(q < _G, b * _G + q, _B * _G + b * _G + (q - _G))
    c_w = np.where(chosen, new_label, -1).astype(np.int32)[i_src].reshape(
        _WACT, _BPW)
    n_out4 = np.ascontiguousarray(
        noise[i_src].astype(np.float32).reshape(_B, _PAD, 4).transpose(
            0, 2, 1))
    mask = np.zeros((_TGT, _TGT), np.bool_)
    mask[_PAD:, :_PAD] = True
    return c_w, n_out4, mask


_C_W, _N_OUT4, _MASK = _build_consts()


def _sc_body(idx_hbm, table_hbm, out_hbm, idx_v, rows_v, sem_a):
    w = lax.axis_index("s") * 2 + lax.axis_index("c")

    @pl.when(w < _WACT)
    def _():
        pltpu.sync_copy(idx_hbm.at[w], idx_v)
        pltpu.async_copy(table_hbm.at[idx_v], rows_v, sem_a).wait()
        pltpu.sync_copy(rows_v, out_hbm.at[pl.ds(w * _BPW, _BPW)])


@functools.cache
def _get_sc_gather():
    return functools.partial(
        pl.kernel,
        mesh=plsc.VectorSubcoreMesh(core_axis_name="c", subcore_axis_name="s"),
        out_type=jax.ShapeDtypeStruct((_N, _EMBED), jnp.float32),
        scratch_types=[
            pltpu.VMEM((_BPW,), jnp.int32),
            pltpu.VMEM((_BPW, _EMBED), jnp.float32),
            pltpu.SemaphoreType.DMA,
        ],
    )(_sc_body)


def _tc_body(p_ref, s_ref, n_ref, bbox_ref):
    P = p_ref[...]
    S = s_ref[...]
    half = S * 0.5
    base = jnp.concatenate(
        [P[:, 0:2] - half[:, 0:2], P[:, 2:4] + half[:, 2:4]], axis=1)
    xyxy = jnp.clip(base + n_ref[...] * half, 0.0, 1.0)
    cxcy = (xyxy[:, 0:2] + xyxy[:, 2:4]) / 2.0
    nwh = xyxy[:, 2:4] - xyxy[:, 0:2]
    r4 = jnp.clip(jnp.concatenate([cxcy, nwh], axis=1), 1e-3, 1.0 - 1e-3)
    bbox_ref[...] = jnp.log(r4 / (1.0 - r4))


def _tc_call(p4, s4, n4):
    return pl.pallas_call(
        _tc_body,
        out_shape=jax.ShapeDtypeStruct((_B, 4, _PAD), jnp.float32),
    )(p4, s4, n4)


def kernel(gt_labels_list, gt_boxes_list, label_embed):
    labels2 = jnp.concatenate([gt_labels_list, gt_labels_list], axis=1)
    labels_w = labels2.reshape(_WACT, _BPW).astype(jnp.int32)
    c_w = jnp.asarray(_C_W)
    final_idx = jnp.where(c_w >= 0, c_w, labels_w)
    out_label = _get_sc_gather()(final_idx, label_embed)
    def dup(x):
        return jnp.concatenate([x, x], axis=1)

    cx = dup(gt_boxes_list[..., 0])
    cy = dup(gt_boxes_list[..., 1])
    w = dup(gt_boxes_list[..., 2])
    h = dup(gt_boxes_list[..., 3])
    p4 = jnp.stack([cx, cy, cx, cy], axis=1)
    s4 = jnp.stack([w, h, w, h], axis=1)
    bbox4 = _tc_call(p4, s4, jnp.asarray(_N_OUT4))
    input_query_label = out_label.reshape(_B, _PAD, _EMBED)
    input_query_bbox = bbox4.transpose(0, 2, 1)
    attn_mask = jnp.asarray(_MASK)
    return input_query_label, input_query_bbox, attn_mask

# --- scband reference (transcript-rebuilt; emitter-appended) ---
"""Pipeline reference for scband-generate-cdnqueries-38603166057124 (READ-ONLY COPY).

The authoritative reference and input builder live on the scoring server;
editing this copy changes nothing except your own understanding.
"""

import jax, jax.numpy as jnp
import numpy as np

NUM_QUERIES = 900
NUM_CLASSES = 80
EMBED_DIM = 256
DENOISING_NUMS = 100
LABEL_NOISE_PROB = 0.5
BOX_NOISE_SCALE = 1.0
B = 16
G = 100


def inverse_sigmoid(x, eps=1e-3):
    x = jnp.clip(x, eps, 1.0 - eps)
    return jnp.log(x / (1.0 - x))


def setup_inputs(seed: int = 0):
    key = jax.random.key(seed)
    k1, k2, k3 = jax.random.split(key, 3)
    gt_labels_list = jax.random.randint(k1, (B, G), 0, NUM_CLASSES)
    gt_boxes_list = jax.random.uniform(k2, (B, G, 4), dtype=jnp.float32)
    label_embed = jax.random.normal(k3, (NUM_CLASSES, EMBED_DIM), dtype=jnp.float32)
    return {"gt_labels_list": gt_labels_list, "gt_boxes_list": gt_boxes_list, "label_embed": label_embed}


def _cdn(gt_labels_list, gt_boxes_list, label_embed):
    b, g = gt_labels_list.shape
    # contrastive denoising: positive + negative groups
    dn_number = DENOISING_NUMS * 2
    if dn_number >= 100:
        dn_number = dn_number // (g * 2)
    dn_number = max(dn_number, 1)
    total = b * g
    labels = gt_labels_list.reshape(-1)
    boxes = gt_boxes_list.reshape(-1, 4)
    batch_idx = jnp.repeat(jnp.arange(b), g)
    known_labels = jnp.tile(labels, 2 * dn_number)
    known_bid = jnp.tile(batch_idx, 2 * dn_number)
    known_bboxs = jnp.tile(boxes, (2 * dn_number, 1))
    n = known_labels.shape[0]
    nk = jax.random.key(1234)
    nk1, nk2, nk3, nk4 = jax.random.split(nk, 4)
    # label noise: flip a fraction of labels to random classes
    p = jax.random.uniform(nk1, (n,))
    new_label = jax.random.randint(nk2, (n,), 0, NUM_CLASSES)
    chosen = p < (LABEL_NOISE_PROB * 0.5)
    known_labels_expand = jnp.where(chosen, new_label, known_labels)
    # positive/negative group mask (each group = [pos block | neg block], each of size total)
    neg_mask = ((jnp.arange(n) // total) % 2 == 1).astype(jnp.float32)
    # box noise in xyxy space
    xy = known_bboxs[:, :2]
    wh = known_bboxs[:, 2:]
    xyxy = jnp.concatenate([xy - wh / 2.0, xy + wh / 2.0], axis=1)
    diff = jnp.concatenate([wh / 2.0, wh / 2.0], axis=1)
    rand_sign = jax.random.randint(nk3, (n, 4), 0, 2).astype(jnp.float32) * 2.0 - 1.0
    rand_part = jax.random.uniform(nk4, (n, 4))
    rand_part = rand_part + neg_mask[:, None]
    rand_part = rand_part * rand_sign
    xyxy = xyxy + rand_part * diff * BOX_NOISE_SCALE
    xyxy = jnp.clip(xyxy, 0.0, 1.0)
    cxcy = (xyxy[:, :2] + xyxy[:, 2:]) / 2.0
    nwh = xyxy[:, 2:] - xyxy[:, :2]
    known_bbox_expand = jnp.concatenate([cxcy, nwh], axis=1)
    # embedding lookup for noised labels (gather)
    input_label_embed = jnp.take(label_embed, known_labels_expand, axis=0)
    input_bbox_embed = inverse_sigmoid(known_bbox_expand)
    single_pad = g
    pad_size = single_pad * 2 * dn_number
    base = jnp.tile(jnp.arange(g), b)
    map_idx = jnp.concatenate([base + single_pad * i for i in range(2 * dn_number)])
    # scatter noised queries into padded per-image slots
    input_query_label = jnp.zeros((b, pad_size, EMBED_DIM), dtype=jnp.float32)
    input_query_label = input_query_label.at[known_bid, map_idx].set(input_label_embed)
    input_query_bbox = jnp.zeros((b, pad_size, 4), dtype=jnp.float32)
    input_query_bbox = input_query_bbox.at[known_bid, map_idx].set(input_bbox_embed)
    # attention mask: dn groups cannot attend to each other; matching part cannot see dn part
    tgt_size = pad_size + NUM_QUERIES
    group_id = jnp.arange(pad_size) // (2 * single_pad)
    dn_block = group_id[:, None] != group_id[None, :]
    attn_mask = jnp.zeros((tgt_size, tgt_size), dtype=bool)
    attn_mask = attn_mask.at[:pad_size, :pad_size].set(dn_block)
    attn_mask = attn_mask.at[pad_size:, :pad_size].set(True)
    return input_query_label, input_query_bbox, attn_mask


def reference(gt_labels_list, gt_boxes_list, label_embed):
    return _cdn(gt_labels_list, gt_boxes_list, label_embed)

if __name__ == "__main__":
    import jax
    _d = setup_inputs()
    print(jax.jit(kernel)(*tuple(_d.values())))

</pallas_src>

<mosaic_0001>
#map = affine_map<(d0, d1) -> (0, 0)>
module attributes {stable_mosaic.version = 14 : i64} {
  func.func @_sc_body(%arg0: i32, %arg1: i32, %arg2: memref<25x128xi32, #tpu.memory_space<hbm>>, %arg3: memref<80x256xf32, #tpu.memory_space<hbm>>, %arg4: memref<3200x256xf32, #tpu.memory_space<hbm>>, %arg5: memref<128xi32, #tpu.memory_space<vmem>>, %arg6: memref<128x256xf32, #tpu.memory_space<vmem>>, %arg7: memref<!tpu.dma_semaphore, #tpu.memory_space<semaphore_mem>>) attributes {dimension_semantics = [#tpu.dimension_semantics<core_parallel>, #tpu.dimension_semantics<subcore_parallel>], iteration_bounds = array<i64: 2, 16>, scalar_prefetch = 0 : i64, scratch_operands = 3 : i64, tpu.core_type = #tpu.core_type<sc_vector_subcore>, window_params = [{transform_indices = #map}, {transform_indices = #map}, {transform_indices = #map}]} {
    %mul3A = arith.constant 2 : i32
    %mul3A_0 = arith.muli %arg1, %mul3A : i32
    %add3A = arith.addi %mul3A_0, %arg0 : i32
    %lt3A = arith.constant 25 : i32
    %lt3A_1 = arith.cmpi slt, %add3A, %lt3A : i32
    %convert_element_type3A = arith.extui %lt3A_1 : i1 to i32
    %cond3A = arith.constant 0 : i32
    %cond3A_2 = arith.cmpi ne, %convert_element_type3A, %cond3A : i32
    scf.if %cond3A_2 {
      "tpu.region"() ({
        %run_scoped3A = tpu.sem_alloc : memref<!tpu.dma_semaphore, #tpu.memory_space<semaphore_mem>>
        %dma_start3A_9 = arith.constant 0 : i32
        %dma_start3A_10 = tpu.memref_slice %arg2[%add3A, %dma_start3A_9] : memref<25x128xi32, #tpu.memory_space<hbm>> -> memref<1x128xi32, #tpu.memory_space<hbm>>
        %dma_start3A_11 = tpu.memref_squeeze %dma_start3A_10 : memref<1x128xi32, #tpu.memory_space<hbm>> -> memref<128xi32, #tpu.memory_space<hbm>>
        %dma_start3A_12 = arith.constant 0 : i32
        %dma_start3A_13 = tpu.memref_slice %arg2[%add3A, %dma_start3A_12] : memref<25x128xi32, #tpu.memory_space<hbm>> -> memref<1x128xi32, #tpu.memory_space<hbm>>
        %dma_start3A_14 = tpu.memref_squeeze %dma_start3A_13 : memref<1x128xi32, #tpu.memory_space<hbm>> -> memref<128xi32, #tpu.memory_space<hbm>>
        tpu.enqueue_dma source(%dma_start3A_14 : memref<128xi32, #tpu.memory_space<hbm>>) target(%arg5 : memref<128xi32, #tpu.memory_space<vmem>>) target_semaphore(%run_scoped3A : memref<!tpu.dma_semaphore, #tpu.memory_space<semaphore_mem>>)
        %dma_wait3A_15 = arith.constant 0 : i32
        %dma_wait3A_16 = tpu.memref_slice %arg2[%add3A, %dma_wait3A_15] : memref<25x128xi32, #tpu.memory_space<hbm>> -> memref<1x128xi32, #tpu.memory_space<hbm>>
        %dma_wait3A_17 = tpu.memref_squeeze %dma_wait3A_16 : memref<1x128xi32, #tpu.memory_space<hbm>> -> memref<128xi32, #tpu.memory_space<hbm>>
        %dma_wait3A_18 = arith.constant 0 : i32
        %dma_wait3A_19 = tpu.memref_slice %arg2[%add3A, %dma_wait3A_18] : memref<25x128xi32, #tpu.memory_space<hbm>> -> memref<1x128xi32, #tpu.memory_space<hbm>>
        %dma_wait3A_20 = tpu.memref_squeeze %dma_wait3A_19 : memref<1x128xi32, #tpu.memory_space<hbm>> -> memref<128xi32, #tpu.memory_space<hbm>>
        tpu.wait_dma2 semaphore(%run_scoped3A : memref<!tpu.dma_semaphore, #tpu.memory_space<semaphore_mem>>) src(%dma_wait3A_20 : memref<128xi32, #tpu.memory_space<hbm>>) dst(%arg5 : memref<128xi32, #tpu.memory_space<vmem>>)
        tpu.yield
      }) : () -> ()
      %dma_start3A = arith.constant 0 : i32
      %dma_start3A_3 = arith.constant 0 : i32
      %dma_start3A_4 = tpu.memref_slice %arg3[%dma_start3A, %dma_start3A_3] : memref<80x256xf32, #tpu.memory_space<hbm>> -> memref<80x256xf32, #tpu.memory_space<hbm>>
      tpu.enqueue_indirect_dma source(%dma_start3A_4 : memref<80x256xf32, #tpu.memory_space<hbm>>) target(%arg6 : memref<128x256xf32, #tpu.memory_space<vmem>>) offsets(%arg5 : memref<128xi32, #tpu.memory_space<vmem>>) semaphore(%arg7 : memref<!tpu.dma_semaphore, #tpu.memory_space<semaphore_mem>>)
      %dma_wait3A = arith.constant 0 : i32
      %dma_wait3A_5 = arith.constant 0 : i32
      %dma_wait3A_6 = tpu.memref_slice %arg3[%dma_wait3A, %dma_wait3A_5] : memref<80x256xf32, #tpu.memory_space<hbm>> -> memref<80x256xf32, #tpu.memory_space<hbm>>
      tpu.wait_indirect_dma semaphore(%arg7 : memref<!tpu.dma_semaphore, #tpu.memory_space<semaphore_mem>>) src(%dma_wait3A_6 : memref<80x256xf32, #tpu.memory_space<hbm>>) dst(%arg6 : memref<128x256xf32, #tpu.memory_space<vmem>>)
      %mul3A_7 = arith.constant 128 : i32
      %mul3A_8 = arith.muli %add3A, %mul3A_7 : i32
      "tpu.region"() ({
        %run_scoped3A = tpu.sem_alloc : memref<!tpu.dma_semaphore, #tpu.memory_space<semaphore_mem>>
        %dma_start3A_9 = arith.constant 0 : i32
        %dma_start3A_10 = tpu.memref_slice %arg4[%mul3A_8, %dma_start3A_9] : memref<3200x256xf32, #tpu.memory_space<hbm>> -> memref<128x256xf32, #tpu.memory_space<hbm>>
        %dma_start3A_11 = arith.constant 0 : i32
        %dma_start3A_12 = tpu.memref_slice %arg4[%mul3A_8, %dma_start3A_11] : memref<3200x256xf32, #tpu.memory_space<hbm>> -> memref<128x256xf32, #tpu.memory_space<hbm>>
        tpu.enqueue_dma source(%arg6 : memref<128x256xf32, #tpu.memory_space<vmem>>) target(%dma_start3A_12 : memref<128x256xf32, #tpu.memory_space<hbm>>) target_semaphore(%run_scoped3A : memref<!tpu.dma_semaphore, #tpu.memory_space<semaphore_mem>>)
        %dma_wait3A_13 = arith.constant 0 : i32
        %dma_wait3A_14 = tpu.memref_slice %arg4[%mul3A_8, %dma_wait3A_13] : memref<3200x256xf32, #tpu.memory_space<hbm>> -> memref<128x256xf32, #tpu.memory_space<hbm>>
        %dma_wait3A_15 = arith.constant 0 : i32
        %dma_wait3A_16 = tpu.memref_slice %arg4[%mul3A_8, %dma_wait3A_15] : memref<3200x256xf32, #tpu.memory_space<hbm>> -> memref<128x256xf32, #tpu.memory_space<hbm>>
        tpu.wait_dma2 semaphore(%run_scoped3A : memref<!tpu.dma_semaphore, #tpu.memory_space<semaphore_mem>>) src(%arg6 : memref<128x256xf32, #tpu.memory_space<vmem>>) dst(%dma_wait3A_16 : memref<128x256xf32, #tpu.memory_space<hbm>>)
        tpu.yield
      }) : () -> ()
    } else {
    }
    return
  }
}

module attributes {stable_mosaic.version = 14 : i64} {
  func.func @_tc_body(%arg0: memref<16x4x200xf32, #tpu.memory_space<vmem>>, %arg1: memref<16x4x200xf32, #tpu.memory_space<vmem>>, %arg2: memref<16x4x200xf32, #tpu.memory_space<vmem>>, %arg3: memref<16x4x200xf32, #tpu.memory_space<vmem>>) attributes {dimension_semantics = [], scalar_prefetch = 0 : i64, scratch_operands = 0 : i64, tpu.core_type = #tpu.core_type<tc>} {
    %get3A = arith.constant 0 : index
    %get3A_0 = arith.constant 0 : index
    %get3A_1 = arith.constant 0 : index
    %get3A_2 = vector.load %arg0[%get3A, %get3A_0, %get3A_1] : memref<16x4x200xf32, #tpu.memory_space<vmem>>, vector<16x4x200xf32>
    %get3A_3 = arith.constant 0 : index
    %get3A_4 = arith.constant 0 : index
    %get3A_5 = arith.constant 0 : index
    %get3A_6 = vector.load %arg1[%get3A_3, %get3A_4, %get3A_5] : memref<16x4x200xf32, #tpu.memory_space<vmem>>, vector<16x4x200xf32>
    %mul3A = arith.constant 5.000000e-01 : f32
    %mul3A_7 = vector.broadcast %mul3A : f32 to vector<16x4x200xf32>
    %mul3A_8 = arith.mulf %get3A_6, %mul3A_7 : vector<16x4x200xf32>
    %slice3A = vector.extract_strided_slice %get3A_2 {offsets = [0, 0, 0], sizes = [16, 2, 200], strides = [1, 1, 1]} : vector<16x4x200xf32> to vector<16x2x200xf32>
    %slice3A_9 = vector.extract_strided_slice %mul3A_8 {offsets = [0, 0, 0], sizes = [16, 2, 200], strides = [1, 1, 1]} : vector<16x4x200xf32> to vector<16x2x200xf32>
    %sub3A = arith.subf %slice3A, %slice3A_9 : vector<16x2x200xf32>
    %slice3A_10 = vector.extract_strided_slice %get3A_2 {offsets = [0, 2, 0], sizes = [16, 2, 200], strides = [1, 1, 1]} : vector<16x4x200xf32> to vector<16x2x200xf32>
    %slice3A_11 = vector.extract_strided_slice %mul3A_8 {offsets = [0, 2, 0], sizes = [16, 2, 200], strides = [1, 1, 1]} : vector<16x4x200xf32> to vector<16x2x200xf32>
    %add3A = arith.addf %slice3A_10, %slice3A_11 : vector<16x2x200xf32>
    %concatenate3A = tpu.concatenate %sub3A, %add3A in 1 : vector<16x2x200xf32>, vector<16x2x200xf32> -> vector<16x4x200xf32>
    %get3A_12 = arith.constant 0 : index
    %get3A_13 = arith.constant 0 : index
    %get3A_14 = arith.constant 0 : index
    %get3A_15 = vector.load %arg2[%get3A_12, %get3A_13, %get3A_14] : memref<16x4x200xf32, #tpu.memory_space<vmem>>, vector<16x4x200xf32>
    %mul3A_16 = arith.mulf %get3A_15, %mul3A_8 : vector<16x4x200xf32>
    %add3A_17 = arith.addf %concatenate3A, %mul3A_16 : vector<16x4x200xf32>
    %jit3A = arith.constant 0.000000e+00 : f32
    %jit3A_18 = arith.constant 1.000000e+00 : f32
    %max3A = vector.broadcast %jit3A : f32 to vector<16x4x200xf32>
    %max3A_19 = arith.maximumf %max3A, %add3A_17 : vector<16x4x200xf32>
    %min3A = vector.broadcast %jit3A_18 : f32 to vector<16x4x200xf32>
    %min3A_20 = arith.minimumf %min3A, %max3A_19 : vector<16x4x200xf32>
    %slice3A_21 = vector.extract_strided_slice %min3A_20 {offsets = [0, 0, 0], sizes = [16, 2, 200], strides = [1, 1, 1]} : vector<16x4x200xf32> to vector<16x2x200xf32>
    %slice3A_22 = vector.extract_strided_slice %min3A_20 {offsets = [0, 2, 0], sizes = [16, 2, 200], strides = [1, 1, 1]} : vector<16x4x200xf32> to vector<16x2x200xf32>
    %add3A_23 = arith.addf %slice3A_21, %slice3A_22 : vector<16x2x200xf32>
    %div3A = arith.constant 2.000000e+00 : f32
    %div3A_24 = vector.broadcast %div3A : f32 to vector<16x2x200xf32>
    %div3A_25 = arith.divf %add3A_23, %div3A_24 : vector<16x2x200xf32>
    %slice3A_26 = vector.extract_strided_slice %min3A_20 {offsets = [0, 2, 0], sizes = [16, 2, 200], strides = [1, 1, 1]} : vector<16x4x200xf32> to vector<16x2x200xf32>
    %slice3A_27 = vector.extract_strided_slice %min3A_20 {offsets = [0, 0, 0], sizes = [16, 2, 200], strides = [1, 1, 1]} : vector<16x4x200xf32> to vector<16x2x200xf32>
    %sub3A_28 = arith.subf %slice3A_26, %slice3A_27 : vector<16x2x200xf32>
    %concatenate3A_29 = tpu.concatenate %div3A_25, %sub3A_28 in 1 : vector<16x2x200xf32>, vector<16x2x200xf32> -> vector<16x4x200xf32>
    %jit3A_30 = arith.constant 1.000000e-03 : f32
    %jit3A_31 = arith.constant 9.990000e-01 : f32
    %max3A_32 = vector.broadcast %jit3A_30 : f32 to vector<16x4x200xf32>
    %max3A_33 = arith.maximumf %max3A_32, %concatenate3A_29 : vector<16x4x200xf32>
    %min3A_34 = vector.broadcast %jit3A_31 : f32 to vector<16x4x200xf32>
    %min3A_35 = arith.minimumf %min3A_34, %max3A_33 : vector<16x4x200xf32>
    %sub3A_36 = arith.constant 1.000000e+00 : f32
    %sub3A_37 = vector.broadcast %sub3A_36 : f32 to vector<16x4x200xf32>
    %sub3A_38 = arith.subf %sub3A_37, %min3A_35 : vector<16x4x200xf32>
    %div3A_39 = arith.divf %min3A_35, %sub3A_38 : vector<16x4x200xf32>
    %log3A = math.log %div3A_39 : vector<16x4x200xf32>
    %swap3A = arith.constant 0 : index
    %swap3A_40 = arith.constant 0 : index
    %swap3A_41 = arith.constant 0 : index
    %swap3A_42 = vector.load %arg3[%swap3A, %swap3A_40, %swap3A_41] : memref<16x4x200xf32, #tpu.memory_space<vmem>>, vector<16x4x200xf32>
    tpu.vector_store %arg3[%swap3A, %swap3A_40, %swap3A_41], %log3A {strides = array<i32>} : memref<16x4x200xf32, #tpu.memory_space<vmem>>, vector<16x4x200xf32>,
    return
  }
}

</mosaic_0001>

<sc_bundles>
// kernel: kernel.4.cloned.1.call-start
scs
__scs_entry_jumppad:
0x0: {  	(pc) =	sbr.rel $0x88, $3  }
0x1: {  	(tag) =	ssettag $0x0;
	lr =	simm.s32 $0x1  }
0x2: {  	[smem:$0x3F9E] =	sst lr;
	_ =	strace $0xD0000000  }
0x3: {  	_ = 	snop  }
0x4: {  	_ = 	snop  }
0x5: {  	_ = 	snop  }
0x6: {  	_ = 	snop  }
0x7: {  	_ = 	snop  }
__scs_overlays_trampoline_lowered:
0x8: {  	[smem:$0x3FAD] =	sst s0  }
0x9: {  	[smem:$0x3FAE] =	sst s1  }
0xa: {  	[smem:$0x3FAF] =	sst s2  }
0xb: {  	[smem:$0x3FB0] =	sst s3  }
0xc: {  	[smem:$0x3FB1] =	sst s4  }
0xd: {  	[smem:$0x3FB2] =	sst s5  }
0xe: {  	[smem:$0x3FB3] =	sst s6  }
0xf: {  	[smem:$0x3FB4] =	sst s7  }
0x10: {  	[smem:$0x3FB5] =	sst s8  }
0x11: {  	[smem:$0x3FB6] =	sst s9;
	s0 =	simm.s32 @!p0 $0x0  }
0x12: {  	s1 =	sld [smem:$0x3F9C];
	s0 =	simm.s32 @p0 $0x1  }
0x13: {  	[smem:$0x3FB7] =	sst s0;
	s0 =	simm.s32 @!p1 $0x0  }
0x14: {  	s2 =	sld [smem:$0x3F9B];
	s0 =	simm.s32 @p1 $0x1  }
0x15: {  	[smem:$0x3FB8] =	sst s0;
	s0 =	simm.s32 @!p2 $0x0  }
0x16: {  	s3 =	sld [smem:$0x3FDB];
	s0 =	simm.s32 @p2 $0x1  }
0x17: {  	s4 =	simm.s32 $0x1BF5;
	[smem:$0x3FBA] =	sst s0  }
0x18: {  	s0 =	sld [smem:$0x3F9D];
	_ =	swait.ge [sflag:s4], $0x0  }
0x19: {  	s7 =	sld [smem:$0x3F9E]  }
0x1a: {  	s8 =	sadd.s32 $0xFFFFE003, lr  }
0x1b: {  	s9 =	sadd.s32 $0xFFFFFEF7, lr;
	s5 =	simm.s32 $0xFFFFFFFF;
	p2 =	slt.u32 s8, $0xFFFFF086  }
0x1c: {  	p1 =	slt.u32 s9, $0xF7A;
	s5 =	simm.s32 @!p2 $0x0  }
0x1d: {  	s5 =	simm.s32 @p1 $0x1;
	p0 =	seq.s32 s7, s2  }
0x1e: {  	s7 =	smul.u32 @!p0 $0xF7A, s2;
	p2 =	seq.s32 @!p0 s5, $0x0  }
0x1f: {  	s9 =	smul.u32 $0xF7A, s1;
	s8 =	simm.s32 @!p0 $0x1BF5;
	p2 =	por !p2, p0  }
0x20: {  	[sflag:s8] =	ssyncset.s32 @!p0 $0xFFFFF086;
	s6 =	sadd.s32 @!p0 s3, s7;
	s7 =	simm.s32 @!p0 $0x108  }
0x21: {  	s3 =	sadd.s32 s3, s9;
	s6 =	sadd.s32 @!p0 $0x88, s6;
	s7 =	simm.s32 @p2 $0x1082  }
0x22: {  	[simem:s7], [sflag:s8] =	dma.local @!p0 [hbm:s6], $0xF7A  }
0x23: {  	s9 =	sor.u32 $0xD0000000, s2;
	s6 =	simm.s32 $0x108;
	_ =	swait.ge @!p0 [sflag:s8], $0x0  }
0x24: {  	s3 =	sadd.s32 $0x88, s3;
	s6 =	simm.s32 @!p1 $0x1082;
	[sflag:s4] =	ssyncset.s32 $0xFFFFF086  }
0x25: {  	[simem:s6], [sflag:s4] =	dma.local [hbm:s3], $0xF7A  }
0x26: {  	[smem:$0x3F9E] =	sst s1;
	(tag) =	ssettag s2;
	_ =	strace s9  }
0x27: {  	s1 =	sld [smem:$0x3FAE]  }
0x28: {  	s2 =	sld [smem:$0x3FAF]  }
0x29: {  	s4 =	sld [smem:$0x3FB1]  }
0x2a: {  	p0 =	seq.s32 s5, $0x0;
	s5 =	sld [smem:$0x3FB2]  }
0x2b: {  	s6 =	sld [smem:$0x3FB3]  }
0x2c: {  	s7 =	sld [smem:$0x3FB4]  }
0x2d: {  	s3 =	simm.s32 $0x108;
	s8 =	sld [smem:$0x3FB5]  }
0x2e: {  	s3 =	simm.s32 @!p0 $0x1082;
	s9 =	sld [smem:$0x3FB6]  }
0x2f: {  	lr =	sadd.s32 s0, s3;
	s0 =	sld [smem:$0x3FAD]  }
0x30: {  	s3 =	sld [smem:$0x3FB0]  }
0x31: {  	[smem:$0x3FB9] =	sst s10  }
0x32: {  	s10 =	sld [smem:$0x3FB7];
	_ =	sdelay $0x3  }
0x33: {  	p0 =	seq.s32 s10, $0x1;
	s10 =	sld [smem:$0x3FB9];
	_ =	sdelay $0x3  }
0x34: {  	[smem:$0x3FB9] =	sst s10  }
0x35: {  	s10 =	sld [smem:$0x3FB8];
	_ =	sdelay $0x3  }
0x36: {  	p1 =	seq.s32 s10, $0x1;
	s10 =	sld [smem:$0x3FB9];
	_ =	sdelay $0x3  }
0x37: {  	[smem:$0x3FB9] =	sst s10  }
0x38: {  	s10 =	sld [smem:$0x3FBA]  }
0x39: {  	_ = 	snop;
	(pc) =	sbr.ind lr, $3  }
0x3a: {  	_ = 	snop  }
0x3b: {  	_ = 	snop  }
0x3c: {  	p2 =	seq.s32 s10, $0x1;
	s10 =	sld [smem:$0x3FB9]  }
0x3d: {  	_ =	shalt  }
0x3e: {  	_ =	shalt  }
0x3f: {  	_ =	shalt  }
0x40: {  	_ =	shalt  }
0x41: {  	_ =	shalt  }
0x42: {  	_ =	shalt  }
0x43: {  	_ =	shalt  }
0x44: {  	_ =	shalt  }
0x45: {  	_ =	shalt  }
0x46: {  	_ =	shalt  }
0x47: {  	_ =	shalt  }
0x48: {  	_ =	shalt  }
0x49: {  	_ =	shalt  }
0x4a: {  	_ =	shalt  }
0x4b: {  	_ =	shalt  }
0x4c: {  	_ =	shalt  }
0x4d: {  	_ =	shalt  }
0x4e: {  	_ =	shalt  }
0x4f: {  	_ =	shalt  }
0x50: {  	_ =	shalt  }
0x51: {  	_ =	shalt  }
0x52: {  	_ =	shalt  }
0x53: {  	_ =	shalt  }
0x54: {  	_ =	shalt  }
0x55: {  	_ =	shalt  }
0x56: {  	_ =	shalt  }
0x57: {  	_ =	shalt  }
0x58: {  	_ =	shalt  }
0x59: {  	_ =	shalt  }
0x5a: {  	_ =	shalt  }
0x5b: {  	_ =	shalt  }
0x5c: {  	_ =	shalt  }
0x5d: {  	_ =	shalt  }
0x5e: {  	_ =	shalt  }
0x5f: {  	_ =	shalt  }
0x60: {  	_ =	shalt  }
0x61: {  	_ =	shalt  }
0x62: {  	_ =	shalt  }
0x63: {  	_ =	shalt  }
0x64: {  	_ =	shalt  }
0x65: {  	_ =	shalt  }
0x66: {  	_ =	shalt  }
0x67: {  	_ =	shalt  }
0x68: {  	_ =	shalt  }
0x69: {  	_ =	shalt  }
0x6a: {  	_ =	shalt  }
0x6b: {  	_ =	shalt  }
0x6c: {  	_ =	shalt  }
0x6d: {  	_ =	shalt  }
0x6e: {  	_ =	shalt  }
0x6f: {  	_ =	shalt  }
0x70: {  	_ =	shalt  }
0x71: {  	_ =	shalt  }
0x72: {  	_ =	shalt  }
0x73: {  	_ =	shalt  }
0x74: {  	_ =	shalt  }
0x75: {  	_ =	shalt  }
0x76: {  	_ =	shalt  }
0x77: {  	_ =	shalt  }
0x78: {  	_ =	shalt  }
0x79: {  	_ =	shalt  }
0x7a: {  	_ =	shalt  }
0x7b: {  	_ =	shalt  }
0x7c: {  	_ =	shalt  }
0x7d: {  	_ =	shalt  }
0x7e: {  	_ =	shalt  }
0x7f: {  	_ =	shalt  }
0x80: {  	_ =	shalt  }
0x81: {  	_ =	shalt  }
0x82: {  	_ =	shalt  }
0x83: {  	_ =	shalt  }
0x84: {  	_ =	shalt  }
0x85: {  	_ =	shalt  }
0x86: {  	_ =	shalt  }
0x87: {  	_ =	shalt  }
.Lfunc_end0:
.L_simem_size_0:
called_computation_lowered:
.L_overlay_start_0:
0x88: {  	s2 =	sld [smem:$0x3FD9]  }
0x89: {  	s3 =	sld [smem:$0x3FFE];
	_ =	sdelay $0x1  }
0x8a: {  	s1 =	srdreg.scid  }
0x8b: {  	s0 =	sand.u32 $0x1, s1  }
0x8c: {  	s15 =	sshll.u32 s0, $0xA;
	s2 =	sadd.s32 s3, s2  }
0x8d: {  	s2 =	sadd.s32 s2, s15  }
0x8e: {  	[smem:$0x3FC5] =	sst s2  }
0x8f: {  	_ = 	snop  }
0x90: {  	s2 =	sld [smem:$0x3FD0];
	_ =	sdelay $0x2  }
0x91: {  	s4 =	simm.s32 $0xA;
	s5 =	simm.s32 $0x10;
	s16 =	sld [smem:$0x3FC7]  }
0x92: {  	[smem:s5], [sflag:s4] =	dma.local [hbm:s2], $0x1  }
0x93: {  	_ =	swait.eq [sflag:s4], $0x1  }
0x94: {  	[sflag:s4] =	ssyncset.done $0x0  }
0x95: {  	s17 =	sld [smem:$0x10];
	[sflag:s4] =	ssyncadd.s32 $0xFFFFFFFF  }
0x96: {  	s18 =	sld [smem:$0x12];
	(tm) =	ssettm $0x1  }
0x97: {  	s19 =	sld [smem:$0x3FFB];
	_ =	sdelay $0x3  }
0x98: {  	_ =	strace s19  }
0x99: {  	s5 =	sld [smem:$0x3FFC];
	_ =	sdelay $0x3  }
0x9a: {  	_ =	strace s5  }
0x9b: {  	s5 =	sld [smem:$0x3FFD];
	_ =	sdelay $0x3  }
0x9c: {  	_ =	strace s5  }
0x9d: {  	_ =	strace $0x8FFFFFFF  }
0x9e: {  	s20 =	sld [smem:$0x3FDB];
	_ =	sdelay $0x1  }
0x9f: {  	s6 =	simm.s32 $_scs_section_size  }
0xa0: {  	s7 =	simm.s32 $_size__tile_overlayer_lowered;
	s8 =	simm.s32 $_tile_overlayer_lowered  }
0xa1: {  	s23 =	simm.s32 $0x1BFF;
	s22 =	sshll.u32 s8, $0x1;
	s5 =	sadd.s32 s6, s20  }
0xa2: {  	s9 =	simm.s32 $0x0;
	s21 =	sshll.u32 s7, $0x1;
	s7 =	sadd.s32 s22, s5  }
0xa3: {  	[timem:s9], [sflag:s23] =	dma.local [hbm:s7], s21  }
0xa4: {  	_ =	swait.ge [sflag:s23], s21  }
0xa5: {  	s6 =	ssub.s32 $0x0, s21;
	[sflag:s23] =	ssyncset.done $0x0  }
0xa6: {  	[sflag:s23] =	ssyncadd.s32 s6;
	_ =	sdelay $0x1  }
0xa7: {  	s24 =	simm.s32 $0x1B8B  }
0xa8: {  	_ =	swait.ge [sflag:s24], $0x1  }
0xa9: {  	[sflag:s24] =	ssyncset.done $0x0  }
0xaa: {  	s25 =	simm.s32 $0x1B8E;
	[sflag:s24] =	ssyncadd.s32 $0xFFFFFFFF  }
0xab: {  	s26 =	simm.s32 $execute0_lowered;
	[smem:$0x3FD2] =	sst s25  }
0xac: {  	s6 =	sshll.u32 s26, $0x1;
	_ =	strace $0x80000046;
	[dreg:$0x1] =	wrdreg $0xFFFFFFFF  }
0xad: {  	s28 =	simm.s32 $_size_execute0_lowered;
	s5 =	sadd.s32 s5, s6;
	[dreg:$0x0] =	wrdreg $0x0  }
0xae: {  	s6 =	sshll.u32 s28, $0x1;
	[dreg:$0x2] =	wrdreg s5  }
0xaf: {  	[dreg:$0x3] =	wrdreg s6  }
0xb0: {  	[dreg:$0x4] =	wrdreg $0xC0  }
0xb1: {  	_ =	task [dreg:s9], $0x5FFFF  }
0xb2: {  	[dreg:$0x1] =	wrdreg $0xFFFFFFFF  }
0xb3: {  	[dreg:$0x0] =	wrdreg $0x60  }
0xb4: {  	[dreg:$0x2] =	wrdreg s18  }
0xb5: {  	[dreg:$0x3] =	wrdreg s16  }
0xb6: {  	[dreg:$0x4] =	wrdreg s17  }
0xb7: {  	[dreg:$0x5] =	wrdreg $0x9  }
0xb8: {  	_ =	task.clear_ibuf [dreg:s9], $0x6FFFF;
	_ =	strace $0x90000046  }
0xb9: {  	s29 =	simm.s32 $0x9;
	_ =	strace $0x80000048  }
0xba: {  	_ =	swait.ge [sflag:s29], $0x1  }
0xbb: {  	[sflag:s29] =	ssyncadd.s32 $0xFFFFFFFF  }
0xbc: {  	_ =	strace $0x90000048  }
0xbd: {  	_ =	sfence  }
0xbe: {  	s30 =	sld [smem:$0x0];
	_ =	sdelay $0x2  }
0xbf: {  	s31 =	sshll.u32 s1, $0xD;
	s1 =	sshrl.u32 s1, $0x2  }
0xc0: {  	s3 =	sand.u32 $0x4000, s31;
	s1 =	sadd.s32 s1, s30  }
0xc1: {  	s0 =	sor.u32 s3, s0;
	s1 =	sshll.u32 s1, $0x11  }
0xc2: {  	s0 =	sor.u32 s1, s0  }
0xc3: {  	s0 =	sadd.s32 $0x8F2B, s0  }
0xc4: {  	[sflag:s0] =	ssyncadd.remote.s32 $0x1  }
0xc5: {  	_ =	sfence.sel $0xFFFF  }
0xc6: {  	[dreg:$0x0] =	wrdreg $0xFFFFFFFF;
	(pc) =	sbr.abs _section_cstart, $3  }
0xc7: {  	[dreg:$0x1] =	wrdreg $0xFFFFFFFF  }
0xc8: {  	_ =	task.clear_ibuf [dreg:s9], $0x2FFFF;
	_ =	strace $0x9FFFFFFF  }
0xc9: {  	(tm) =	ssettm $0x7FFFFFFF  }
tec
execute0_lowered:
.L_overlay_start_1:
0x0: {  	(tag) =	ssettag $0x1  }
0x1: {  	s1 =	srdreg.scid;
	s0 =	stileid.u32  }
0x2: {  	s6 =	sand.u32 $0x1, s1;
	s7 =	sshll.u32 s0, $0x1  }
0x3: {  	s7 =	sor.u32 s6, s7  }
0x4: {  	p0 =	sgt.u32 s7, $0x18  }
.Ltmp0:
0x5: {  	s5 =	rddreg [dreg:$0x0];
	(pc) =	sbr.rel @p0 .LBB2_3-.Ltmp0, $4  }
0x6: {  	s2 =	rddreg [dreg:$0x1]  }
0x7: {  	s4 =	rddreg [dreg:$0x2];
	s3 =	simm.s32 $0x0  }
0x8: {  	[smem:$0x7FF] =	sst s3  }
0x9: {  	s1 =	rddreg [dreg:$0x3];
	_ =	strace $0x80000047  }
0xa: {  	s6 =	ssub.s32 $0x2, s6;
	s9 =	sshll.u32 s7, $0xC  }
0xb: {  	s31 =	sshll.u32 s7, $0x4;
	s7 =	simm.s32 $0x2;
	s10 =	simm.s32 $0x1080  }
0xc: {  	s11 =	simm.s32 $0x1880;
	s12 =	simm.s32 $0x2080;
	s13 =	simm.s32 $0x2880  }
0xd: {  	s14 =	simm.s32 $0x3080;
	s15 =	simm.s32 $0x3880;
	s16 =	simm.s32 $0x4080  }
0xe: {  	s17 =	simm.s32 $0x4880;
	s18 =	simm.s32 $0x5080;
	s19 =	simm.s32 $0x5880  }
0xf: {  	s20 =	simm.s32 $0x6080;
	s21 =	simm.s32 $0x6880;
	s22 =	simm.s32 $0x7080  }
0x10: {  	v2 =	vlaneseq.u32;
	s23 =	simm.s32 $0x7880;
	s24 =	simm.s32 $0x1;
	s8 =	sshrl.u32 s6, $0x1  }
0x11: {  	vm0 =	vmmov $0xffff;
	s4 =	sadd.s32 s4, s9;
	s5 =	sadd.s32 s5, s31;
	v1 =	vshrl.u32 v2, $0x3;
	s6 =	ssub.s32 s6, s8  }
0x12: {  	s9 =	simm.s32 $0x880;
	v0 =	vand.u32 $0x7, v2;
	v2 =	vor.u32 $0x8, v2;
	s8 =	simm.s32 $0x80;
	v1 =	vmul.u32 $0x8, v1;
	s6 =	smax.u32 s6, $0x1  }
.LBB2_2:
0x13: {  	[tilespmem:s3], [sflag:$0x2] =	stream.linear.gather [hbm4b:s5+s3], $0x80, $0x38;
	[tilespmem:$0x8080] =	vst v63  }
0x14: {  	_ =	swait.ge [sflag:s7], $0x80  }
0x15: {  	[sflag:s7] =	ssyncset.done $0x0  }
0x16: {  	[sflag:s7] =	ssyncadd.s32 $0xFFFFFF80  }
0x17: {  	v3 =	vld [tilespmem:$0x0];
	_ =	sdelay $0x4  }
0x18: {  	v4 =	vshll.u32 v3, $0x1  }
0x19: {  	v3 =	vand.u32 $0x7, v3;
	v4 =	vand.u32 $0xFFFFFFF0, v4  }
0x1a: {  	v3 =	vor.u32 v3, v4  }
0x1b: {  	v4 =	vperm.xlane v3, v0;
	_ =	sdelay $0x1  }
0x1c: {  	v3 =	vperm.xlane v3, v2;
	v4 =	vadd.s32 v1, v4;
	_ =	sdelay $0x1  }
0x1d: {  	v3 =	vadd.s32 v1, v3;
	_ =	sdelay $0x2  }
0x1e: {  	[tilespmem:s8], [sflag:$0x1] =	stream.indirect_vreg.gather [hbm4b:s2+s3], $0x80, v4, vm0, $0xb8;
	[tilespmem:$0x8080] =	vst v63  }
0x1f: {  	_ = 	snop  }
0x20: {  	[tilespmem:s9], [sflag:$0x1] =	stream.indirect_vreg.gather [hbm4b:s2+s3], $0x80, v3, vm0, $0xb8;
	[tilespmem:$0x8080] =	vst v63  }
0x21: {  	v3 =	vld [tilespmem:$0x10];
	_ =	sdelay $0x4  }
0x22: {  	v57 =	vshll.u32 v3, $0x1  }
0x23: {  	v3 =	vand.u32 $0x7, v3;
	v4 =	vand.u32 $0xFFFFFFF0, v57  }
0x24: {  	v3 =	vor.u32 v3, v4  }
0x25: {  	v4 =	vperm.xlane v3, v0;
	_ =	sdelay $0x1  }
0x26: {  	v3 =	vperm.xlane v3, v2;
	v4 =	vadd.s32 v1, v4;
	_ =	sdelay $0x1  }
0x27: {  	v3 =	vadd.s32 v1, v3;
	_ =	sdelay $0x2  }
0x28: {  	[tilespmem:s10], [sflag:$0x1] =	stream.indirect_vreg.gather [hbm4b:s2+s3], $0x80, v4, vm0, $0xb8;
	[tilespmem:$0x8080] =	vst v63  }
0x29: {  	_ = 	snop  }
0x2a: {  	[tilespmem:s11], [sflag:$0x1] =	stream.indirect_vreg.gather [hbm4b:s2+s3], $0x80, v3, vm0, $0xb8;
	[tilespmem:$0x8080] =	vst v63  }
0x2b: {  	v3 =	vld [tilespmem:$0x20];
	_ =	sdelay $0x4  }
0x2c: {  	v58 =	vshll.u32 v3, $0x1  }
0x2d: {  	v3 =	vand.u32 $0x7, v3;
	v4 =	vand.u32 $0xFFFFFFF0, v58  }
0x2e: {  	v3 =	vor.u32 v3, v4  }
0x2f: {  	v4 =	vperm.xlane v3, v0;
	_ =	sdelay $0x1  }
0x30: {  	v3 =	vperm.xlane v3, v2;
	v4 =	vadd.s32 v1, v4;
	_ =	sdelay $0x1  }
0x31: {  	v3 =	vadd.s32 v1, v3;
	_ =	sdelay $0x2  }
0x32: {  	[tilespmem:s12], [sflag:$0x1] =	stream.indirect_vreg.gather [hbm4b:s2+s3], $0x80, v4, vm0, $0xb8;
	[tilespmem:$0x8080] =	vst v63  }
0x33: {  	_ = 	snop  }
0x34: {  	[tilespmem:s13], [sflag:$0x1] =	stream.indirect_vreg.gather [hbm4b:s2+s3], $0x80, v3, vm0, $0xb8;
	[tilespmem:$0x8080] =	vst v63  }
0x35: {  	v3 =	vld [tilespmem:$0x30];
	_ =	sdelay $0x4  }
0x36: {  	v59 =	vshll.u32 v3, $0x1  }
0x37: {  	v3 =	vand.u32 $0x7, v3;
	v4 =	vand.u32 $0xFFFFFFF0, v59  }
0x38: {  	v3 =	vor.u32 v3, v4  }
0x39: {  	v4 =	vperm.xlane v3, v0;
	_ =	sdelay $0x1  }
0x3a: {  	v3 =	vperm.xlane v3, v2;
	v4 =	vadd.s32 v1, v4;
	_ =	sdelay $0x1  }
0x3b: {  	v3 =	vadd.s32 v1, v3;
	_ =	sdelay $0x2  }
0x3c: {  	[tilespmem:s14], [sflag:$0x1] =	stream.indirect_vreg.gather [hbm4b:s2+s3], $0x80, v4, vm0, $0xb8;
	[tilespmem:$0x8080] =	vst v63  }
0x3d: {  	_ = 	snop  }
0x3e: {  	[tilespmem:s15], [sflag:$0x1] =	stream.indirect_vreg.gather [hbm4b:s2+s3], $0x80, v3, vm0, $0xb8;
	[tilespmem:$0x8080] =	vst v63  }
0x3f: {  	v3 =	vld [tilespmem:$0x40];
	_ =	sdelay $0x4  }
0x40: {  	v60 =	vshll.u32 v3, $0x1  }
0x41: {  	v3 =	vand.u32 $0x7, v3;
	v4 =	vand.u32 $0xFFFFFFF0, v60  }
0x42: {  	v3 =	vor.u32 v3, v4  }
0x43: {  	v4 =	vperm.xlane v3, v0;
	_ =	sdelay $0x1  }
0x44: {  	v3 =	vperm.xlane v3, v2;
	v4 =	vadd.s32 v1, v4;
	_ =	sdelay $0x1  }
0x45: {  	v3 =	vadd.s32 v1, v3;
	_ =	sdelay $0x2  }
0x46: {  	[tilespmem:s16], [sflag:$0x1] =	stream.indirect_vreg.gather [hbm4b:s2+s3], $0x80, v4, vm0, $0xb8;
	[tilespmem:$0x8080] =	vst v63  }
0x47: {  	_ = 	snop  }
0x48: {  	[tilespmem:s17], [sflag:$0x1] =	stream.indirect_vreg.gather [hbm4b:s2+s3], $0x80, v3, vm0, $0xb8;
	[tilespmem:$0x8080] =	vst v63  }
0x49: {  	v3 =	vld [tilespmem:$0x50];
	_ =	sdelay $0x4  }
0x4a: {  	v61 =	vshll.u32 v3, $0x1  }
0x4b: {  	v3 =	vand.u32 $0x7, v3;
	v4 =	vand.u32 $0xFFFFFFF0, v61  }
0x4c: {  	v3 =	vor.u32 v3, v4  }
0x4d: {  	v4 =	vperm.xlane v3, v0;
	_ =	sdelay $0x1  }
0x4e: {  	v3 =	vperm.xlane v3, v2;
	v4 =	vadd.s32 v1, v4;
	_ =	sdelay $0x1  }
0x4f: {  	v3 =	vadd.s32 v1, v3;
	_ =	sdelay $0x2  }
0x50: {  	[tilespmem:s18], [sflag:$0x1] =	stream.indirect_vreg.gather [hbm4b:s2+s3], $0x80, v4, vm0, $0xb8;
	[tilespmem:$0x8080] =	vst v63  }
0x51: {  	_ = 	snop  }
0x52: {  	[tilespmem:s19], [sflag:$0x1] =	stream.indirect_vreg.gather [hbm4b:s2+s3], $0x80, v3, vm0, $0xb8;
	[tilespmem:$0x8080] =	vst v63  }
0x53: {  	v3 =	vld [tilespmem:$0x60];
	_ =	sdelay $0x4  }
0x54: {  	v62 =	vshll.u32 v3, $0x1  }
0x55: {  	v3 =	vand.u32 $0x7, v3;
	v4 =	vand.u32 $0xFFFFFFF0, v62  }
0x56: {  	v3 =	vor.u32 v3, v4  }
0x57: {  	v4 =	vperm.xlane v3, v0;
	_ =	sdelay $0x1  }
0x58: {  	v3 =	vperm.xlane v3, v2;
	v4 =	vadd.s32 v1, v4;
	_ =	sdelay $0x1  }
0x59: {  	v3 =	vadd.s32 v1, v3;
	_ =	sdelay $0x2  }
0x5a: {  	[tilespmem:s20], [sflag:$0x1] =	stream.indirect_vreg.gather [hbm4b:s2+s3], $0x80, v4, vm0, $0xb8;
	[tilespmem:$0x8080] =	vst v63  }
0x5b: {  	_ = 	snop  }
0x5c: {  	[tilespmem:s21], [sflag:$0x1] =	stream.indirect_vreg.gather [hbm4b:s2+s3], $0x80, v3, vm0, $0xb8;
	[tilespmem:$0x8080] =	vst v63  }
0x5d: {  	v3 =	vld [tilespmem:$0x70];
	_ =	sdelay $0x4  }
0x5e: {  	v63 =	vshll.u32 v3, $0x1  }
0x5f: {  	v3 =	vand.u32 $0x7, v3;
	v4 =	vand.u32 $0xFFFFFFF0, v63  }
0x60: {  	v3 =	vor.u32 v3, v4  }
0x61: {  	v4 =	vperm.xlane v3, v0;
	_ =	sdelay $0x1  }
0x62: {  	v3 =	vperm.xlane v3, v2;
	v4 =	vadd.s32 v1, v4;
	_ =	sdelay $0x1  }
0x63: {  	v3 =	vadd.s32 v1, v3;
	_ =	sdelay $0x2  }
0x64: {  	[tilespmem:s22], [sflag:$0x1] =	stream.indirect_vreg.gather [hbm4b:s2+s3], $0x80, v4, vm0, $0xb8;
	[tilespmem:$0x8080] =	vst v63  }
0x65: {  	_ = 	snop  }
0x66: {  	[tilespmem:s23], [sflag:$0x1] =	stream.indirect_vreg.gather [hbm4b:s2+s3], $0x80, v3, vm0, $0xb8;
	[tilespmem:$0x8080] =	vst v63  }
0x67: {  	_ =	swait.ge [sflag:s24], $0x8000  }
0x68: {  	p0 =	sne.s32 s6, $0x1;
	[sflag:s24] =	ssyncset.done $0x0  }
.Ltmp1:
0x69: {  	[sflag:s24] =	ssyncadd.s32 $0xFFFF8000;
	(pc) =	sbr.rel @p0 .LBB2_2-.Ltmp1, $4  }
0x6a: {  	[hbm4b:s4+s3] =	stream.linear.scatter [tilespmem:s8], [sflag:$0x2], $0x8000, $0x38;
	[tilespmem:$0x8080] =	vst v63  }
0x6b: {  	_ =	swait.ge [sflag:s7], $0x8000  }
0x6c: {  	[sflag:s7] =	ssyncset.done $0x0  }
0x6d: {  	s6 =	sadd.s32 $0xFFFFFFFF, s6;
	[sflag:s7] =	ssyncadd.s32 $0xFFFF8000  }
.LBB2_3:
0x6e: {  	_ =	sfence.sel $0x180000  }
0x6f: {  	[bflag:$0x0] =	sbarrier.arrive $0xFFFF  }
0x70: {  	p0 =	sne.s32 s0, $0x0;
	_ =	strace $0x90000047  }
0x71: {  	s0 =	sadd.s32 @!p0 $0x100000, s1;
	[bflag:$0x2] =	sbarrier.arrive $0xFFFF  }
0x72: {  	[sflag:s0] =	ssyncadd.tile.s32 @!p0 $0x1;
	_ =	shalt  }
.Lfunc_end2:
_tile_overlayer_lowered:
.L_overlay_start_2:
0x73: {  	(tag) =	ssettag $0x2  }
0x74: {  	s0 =	rddreg [dreg:$0x0];
	s2 =	stileid.u32  }
0x75: {  	s1 =	rddreg [dreg:$0x1];
	p0 =	sne.s32 s2, $0x0  }
0x76: {  	s3 =	rddreg [dreg:$0x2];
	[bflag:$0x3] =	sbarrier.arrive $0xFFFF;
	s2 =	simm.s32 @!p0 $0x1C02  }
0x77: {  	[timem:s3], [sflag:s2] =	dma.local @!p0 [hbm:s0], s1  }
0x78: {  	s0 =	simm.s32 @!p0 $0x2  }
0x79: {  	_ =	swait.ge @!p0 [sflag:s0], s1  }
0x7a: {  	s1 =	ssub.s32 @!p0 $0x0, s1;
	[sflag:s0] =	ssyncset.done @!p0 $0x0  }
0x7b: {  	[sflag:s0] =	ssyncadd.s32 @!p0 s1  }
0x7c: {  	[bflag:$0x3] =	sbarrier.arrive $0xFFFF  }
0x7d: {  	_ =	shalt  }

</sc_bundles>
